<compile_context>
chip_gen: v7x
topology: tpu7x:2x2x1
jax: 0.10.2.dev20260603
libtpu: 0.0.44.dev20260713+nightly
codegen_flags: <defaults>
</compile_context>

<pallas_src>
import functools

import jax
import jax.numpy as jnp
from jax import lax
from jax.experimental import pallas as pl
from jax.experimental.pallas import tpu as pltpu
from jax.experimental.pallas import tpu_sc as plsc

_B, _T = 16384, 4096
_BLOCK_ROWS = 512
_NC, _NS = 2, 16
_NW = _NC * _NS
_ROWS_PER_W = _B // _NW
_SLAB = 128
_L = 16
_UNROLL = 8


@functools.partial(
    pl.kernel,
    mesh=plsc.VectorSubcoreMesh(core_axis_name="c", subcore_axis_name="s"),
    scratch_types=[
        pltpu.VMEM((_ROWS_PER_W, _SLAB), jnp.float32),
    ],
)
def _sc_swap(y_ref, blk):
    wid = lax.axis_index("s") * _NC + lax.axis_index("c")
    base = wid * _ROWS_PER_W
    pltpu.sync_copy(y_ref.at[pl.ds(base, _ROWS_PER_W), pl.ds(0, _SLAB)], blk)
    lane = lax.iota(jnp.int32, _L)
    perm = jnp.where(lane == 0, 1, jnp.where(lane == 1, 0, lane))
    dnums = lax.GatherDimensionNumbers(
        offset_dims=(), collapsed_slice_dims=(0,), start_index_map=(0,))

    def body(i, carry):
        for u in range(_UNROLL):
            r = i * _UNROLL + u
            v = blk[r, pl.ds(0, _L)]
            swapped = lax.gather(
                v, perm[:, None], dnums, (1,),
                mode=lax.GatherScatterMode.PROMISE_IN_BOUNDS)
            blk[r, pl.ds(0, _L)] = swapped
        return carry

    lax.fori_loop(0, _ROWS_PER_W // _UNROLL, body, 0)
    pltpu.sync_copy(blk, y_ref.at[pl.ds(base, _ROWS_PER_W), pl.ds(0, _SLAB)])


def _copy_body(x_ref, o_ref):
    o_ref[...] = x_ref[...]


def _tc_copy(tokens):
    return pl.pallas_call(
        _copy_body,
        grid=(_B // _BLOCK_ROWS,),
        in_specs=[pl.BlockSpec((_BLOCK_ROWS, _T), lambda i: (i, 0))],
        out_specs=pl.BlockSpec((_BLOCK_ROWS, _T), lambda i: (i, 0)),
        out_shape=jax.ShapeDtypeStruct((_B, _T), tokens.dtype),
    )(tokens)


def kernel(tokens):
    y_ref = jax.new_ref(_tc_copy(tokens))
    _sc_swap(y_ref)
    return jax.freeze(y_ref)

# --- scband reference (transcript-rebuilt; emitter-appended) ---
"""Pipeline reference for scband-perturber-block-17248588661281 (READ-ONLY COPY).

The authoritative reference and input builder live on the scoring server;
editing this copy changes nothing except your own understanding.
"""

import jax, jax.numpy as jnp
import numpy as np


def setup_inputs(seed: int = 0) -> dict:
    key = jax.random.key(seed)
    tokens = jax.random.normal(key, (16384, 4096), dtype=jnp.float32)
    return {"tokens": tokens}


def reference(tokens):
    # Faithful translation of PerturberBlock.forward:
    # swap tokens[:, 0] and tokens[:, 1] via explicit gather + scatter-overwrite.
    B, T = tokens.shape
    rows = jnp.arange(B)
    idx1 = jnp.zeros((B,), dtype=jnp.int32)
    idx2 = jnp.ones((B,), dtype=jnp.int32)
    tmp = tokens[rows, idx1]                       # gather
    out = tokens.at[rows, idx1].set(tokens[rows, idx2])  # scatter-overwrite
    out = out.at[rows, idx2].set(tmp)              # scatter-overwrite
    return out

if __name__ == "__main__":
    import jax
    _d = setup_inputs()
    print(jax.jit(kernel)(*tuple(_d.values())))

</pallas_src>

<mosaic_0001>
#map = affine_map<(d0, d1) -> (0, 0)>
module attributes {stable_mosaic.version = 14 : i64} {
  func.func @new_body(%arg0: i32, %arg1: i32, %arg2: memref<16384x4096xf32, #tpu.memory_space<hbm>>, %arg3: memref<16384x4096xf32, #tpu.memory_space<hbm>>, %arg4: memref<512x128xf32, #tpu.memory_space<vmem>>) attributes {dimension_semantics = [#tpu.dimension_semantics<core_parallel>, #tpu.dimension_semantics<subcore_parallel>], iteration_bounds = array<i64: 2, 16>, scalar_prefetch = 0 : i64, scratch_operands = 1 : i64, tpu.core_type = #tpu.core_type<sc_vector_subcore>, window_params = [{transform_indices = #map}, {transform_indices = #map}]} {
    %mul3A = arith.constant 2 : i32
    %mul3A_0 = arith.muli %arg1, %mul3A : i32
    %add3A = arith.addi %mul3A_0, %arg0 : i32
    %mul3A_1 = arith.constant 512 : i32
    %mul3A_2 = arith.muli %add3A, %mul3A_1 : i32
    "tpu.region"() ({
      %run_scoped3A = tpu.sem_alloc : memref<!tpu.dma_semaphore, #tpu.memory_space<semaphore_mem>>
      %dma_start3A = arith.constant 0 : i32
      %dma_start3A_16 = tpu.memref_slice %arg2[%mul3A_2, %dma_start3A] : memref<16384x4096xf32, #tpu.memory_space<hbm>> -> memref<512x128xf32, #tpu.memory_space<hbm>>
      %dma_start3A_17 = arith.constant 0 : i32
      %dma_start3A_18 = tpu.memref_slice %arg2[%mul3A_2, %dma_start3A_17] : memref<16384x4096xf32, #tpu.memory_space<hbm>> -> memref<512x128xf32, #tpu.memory_space<hbm>>
      tpu.enqueue_dma source(%dma_start3A_18 : memref<512x128xf32, #tpu.memory_space<hbm>>) target(%arg4 : memref<512x128xf32, #tpu.memory_space<vmem>>) target_semaphore(%run_scoped3A : memref<!tpu.dma_semaphore, #tpu.memory_space<semaphore_mem>>)
      %dma_wait3A = arith.constant 0 : i32
      %dma_wait3A_19 = tpu.memref_slice %arg2[%mul3A_2, %dma_wait3A] : memref<16384x4096xf32, #tpu.memory_space<hbm>> -> memref<512x128xf32, #tpu.memory_space<hbm>>
      %dma_wait3A_20 = arith.constant 0 : i32
      %dma_wait3A_21 = tpu.memref_slice %arg2[%mul3A_2, %dma_wait3A_20] : memref<16384x4096xf32, #tpu.memory_space<hbm>> -> memref<512x128xf32, #tpu.memory_space<hbm>>
      tpu.wait_dma2 semaphore(%run_scoped3A : memref<!tpu.dma_semaphore, #tpu.memory_space<semaphore_mem>>) src(%dma_wait3A_21 : memref<512x128xf32, #tpu.memory_space<hbm>>) dst(%arg4 : memref<512x128xf32, #tpu.memory_space<vmem>>)
      tpu.yield
    }) : () -> ()
    %iota3A = tpu.iota {dimensions = array<i32: 0>} : vector<16xi32>
    %eq3A = arith.constant 0 : i32
    %eq3A_3 = vector.broadcast %eq3A : i32 to vector<16xi32>
    %eq3A_4 = arith.cmpi eq, %iota3A, %eq3A_3 : vector<16xi32>
    %eq3A_5 = arith.constant 1 : i32
    %eq3A_6 = vector.broadcast %eq3A_5 : i32 to vector<16xi32>
    %eq3A_7 = arith.cmpi eq, %iota3A, %eq3A_6 : vector<16xi32>
    %jit3A = arith.constant 0 : i32
    %broadcast_in_dim3A = vector.broadcast %jit3A : i32 to vector<16xi32>
    %select_n3A = arith.select %eq3A_7, %broadcast_in_dim3A, %iota3A : vector<16xi1>, vector<16xi32>
    %jit3A_8 = arith.constant 1 : i32
    %broadcast_in_dim3A_9 = vector.broadcast %jit3A_8 : i32 to vector<16xi32>
    %select_n3A_10 = arith.select %eq3A_4, %broadcast_in_dim3A_9, %select_n3A : vector<16xi1>, vector<16xi32>
    %scan3A = arith.constant 0 : i32
    %scan3A_11 = arith.constant 0 : i32
    %scan3A_12 = arith.constant 64 : i32
    %scan3A_13 = arith.addi %scan3A_11, %scan3A_12 : i32
    %scan3A_14 = arith.constant 1 : i32
    scf.for %scan3A_16 = %scan3A_11 to %scan3A_13 step %scan3A_14  : i32 {
      %mul3A_17 = arith.constant 8 : i32
      %mul3A_18 = arith.muli %scan3A_16, %mul3A_17 : i32
      %add3A_19 = arith.constant 0 : i32
      %add3A_20 = arith.addi %mul3A_18, %add3A_19 : i32
      %get3A = arith.index_cast %add3A_20 : i32 to index
      %get3A_21 = arith.constant 0 : index
      %get3A_22 = tpu.vector_load %arg4[%get3A, %get3A_21] {strides = array<i32>} : memref<512x128xf32, #tpu.memory_space<vmem>>, vector<1x16xf32>,
      %get3A_23 = vector.shape_cast %get3A_22 : vector<1x16xf32> to vector<16xf32>
      %broadcast_in_dim3A_24 = vector.shape_cast %select_n3A_10 : vector<16xi32> to vector<16x1xi32>
      %gather3A = vector.shape_cast %broadcast_in_dim3A_24 : vector<16x1xi32> to vector<16xi32>
      %gather3A_25 = tpu.dynamic_gather %get3A_23[%gather3A] in [0] : vector<16xf32>, vector<16xi32> -> vector<16xf32>
      %swap3A = arith.index_cast %add3A_20 : i32 to index
      %swap3A_26 = arith.constant 0 : index
      %swap3A_27 = tpu.vector_load %arg4[%swap3A, %swap3A_26] {strides = array<i32>} : memref<512x128xf32, #tpu.memory_space<vmem>>, vector<1x16xf32>,
      %swap3A_28 = vector.shape_cast %swap3A_27 : vector<1x16xf32> to vector<16xf32>
      %swap3A_29 = vector.shape_cast %gather3A_25 : vector<16xf32> to vector<1x16xf32>
      tpu.vector_store %arg4[%swap3A, %swap3A_26], %swap3A_29 {strides = array<i32>} : memref<512x128xf32, #tpu.memory_space<vmem>>, vector<1x16xf32>,
      %mul3A_30 = arith.constant 8 : i32
      %mul3A_31 = arith.muli %scan3A_16, %mul3A_30 : i32
      %add3A_32 = arith.constant 1 : i32
      %add3A_33 = arith.addi %mul3A_31, %add3A_32 : i32
      %get3A_34 = arith.index_cast %add3A_33 : i32 to index
      %get3A_35 = arith.constant 0 : index
      %get3A_36 = tpu.vector_load %arg4[%get3A_34, %get3A_35] {strides = array<i32>} : memref<512x128xf32, #tpu.memory_space<vmem>>, vector<1x16xf32>,
      %get3A_37 = vector.shape_cast %get3A_36 : vector<1x16xf32> to vector<16xf32>
      %broadcast_in_dim3A_38 = vector.shape_cast %select_n3A_10 : vector<16xi32> to vector<16x1xi32>
      %gather3A_39 = vector.shape_cast %broadcast_in_dim3A_38 : vector<16x1xi32> to vector<16xi32>
      %gather3A_40 = tpu.dynamic_gather %get3A_37[%gather3A_39] in [0] : vector<16xf32>, vector<16xi32> -> vector<16xf32>
      %swap3A_41 = arith.index_cast %add3A_33 : i32 to index
      %swap3A_42 = arith.constant 0 : index
      %swap3A_43 = tpu.vector_load %arg4[%swap3A_41, %swap3A_42] {strides = array<i32>} : memref<512x128xf32, #tpu.memory_space<vmem>>, vector<1x16xf32>,
      %swap3A_44 = vector.shape_cast %swap3A_43 : vector<1x16xf32> to vector<16xf32>
      %swap3A_45 = vector.shape_cast %gather3A_40 : vector<16xf32> to vector<1x16xf32>
      tpu.vector_store %arg4[%swap3A_41, %swap3A_42], %swap3A_45 {strides = array<i32>} : memref<512x128xf32, #tpu.memory_space<vmem>>, vector<1x16xf32>,
      %mul3A_46 = arith.constant 8 : i32
      %mul3A_47 = arith.muli %scan3A_16, %mul3A_46 : i32
      %add3A_48 = arith.constant 2 : i32
      %add3A_49 = arith.addi %mul3A_47, %add3A_48 : i32
      %get3A_50 = arith.index_cast %add3A_49 : i32 to index
      %get3A_51 = arith.constant 0 : index
      %get3A_52 = tpu.vector_load %arg4[%get3A_50, %get3A_51] {strides = array<i32>} : memref<512x128xf32, #tpu.memory_space<vmem>>, vector<1x16xf32>,
      %get3A_53 = vector.shape_cast %get3A_52 : vector<1x16xf32> to vector<16xf32>
      %broadcast_in_dim3A_54 = vector.shape_cast %select_n3A_10 : vector<16xi32> to vector<16x1xi32>
      %gather3A_55 = vector.shape_cast %broadcast_in_dim3A_54 : vector<16x1xi32> to vector<16xi32>
      %gather3A_56 = tpu.dynamic_gather %get3A_53[%gather3A_55] in [0] : vector<16xf32>, vector<16xi32> -> vector<16xf32>
      %swap3A_57 = arith.index_cast %add3A_49 : i32 to index
      %swap3A_58 = arith.constant 0 : index
      %swap3A_59 = tpu.vector_load %arg4[%swap3A_57, %swap3A_58] {strides = array<i32>} : memref<512x128xf32, #tpu.memory_space<vmem>>, vector<1x16xf32>,
      %swap3A_60 = vector.shape_cast %swap3A_59 : vector<1x16xf32> to vector<16xf32>
      %swap3A_61 = vector.shape_cast %gather3A_56 : vector<16xf32> to vector<1x16xf32>
      tpu.vector_store %arg4[%swap3A_57, %swap3A_58], %swap3A_61 {strides = array<i32>} : memref<512x128xf32, #tpu.memory_space<vmem>>, vector<1x16xf32>,
      %mul3A_62 = arith.constant 8 : i32
      %mul3A_63 = arith.muli %scan3A_16, %mul3A_62 : i32
      %add3A_64 = arith.constant 3 : i32
      %add3A_65 = arith.addi %mul3A_63, %add3A_64 : i32
      %get3A_66 = arith.index_cast %add3A_65 : i32 to index
      %get3A_67 = arith.constant 0 : index
      %get3A_68 = tpu.vector_load %arg4[%get3A_66, %get3A_67] {strides = array<i32>} : memref<512x128xf32, #tpu.memory_space<vmem>>, vector<1x16xf32>,
      %get3A_69 = vector.shape_cast %get3A_68 : vector<1x16xf32> to vector<16xf32>
      %broadcast_in_dim3A_70 = vector.shape_cast %select_n3A_10 : vector<16xi32> to vector<16x1xi32>
      %gather3A_71 = vector.shape_cast %broadcast_in_dim3A_70 : vector<16x1xi32> to vector<16xi32>
      %gather3A_72 = tpu.dynamic_gather %get3A_69[%gather3A_71] in [0] : vector<16xf32>, vector<16xi32> -> vector<16xf32>
      %swap3A_73 = arith.index_cast %add3A_65 : i32 to index
      %swap3A_74 = arith.constant 0 : index
      %swap3A_75 = tpu.vector_load %arg4[%swap3A_73, %swap3A_74] {strides = array<i32>} : memref<512x128xf32, #tpu.memory_space<vmem>>, vector<1x16xf32>,
      %swap3A_76 = vector.shape_cast %swap3A_75 : vector<1x16xf32> to vector<16xf32>
      %swap3A_77 = vector.shape_cast %gather3A_72 : vector<16xf32> to vector<1x16xf32>
      tpu.vector_store %arg4[%swap3A_73, %swap3A_74], %swap3A_77 {strides = array<i32>} : memref<512x128xf32, #tpu.memory_space<vmem>>, vector<1x16xf32>,
      %mul3A_78 = arith.constant 8 : i32
      %mul3A_79 = arith.muli %scan3A_16, %mul3A_78 : i32
      %add3A_80 = arith.constant 4 : i32
      %add3A_81 = arith.addi %mul3A_79, %add3A_80 : i32
      %get3A_82 = arith.index_cast %add3A_81 : i32 to index
      %get3A_83 = arith.constant 0 : index
      %get3A_84 = tpu.vector_load %arg4[%get3A_82, %get3A_83] {strides = array<i32>} : memref<512x128xf32, #tpu.memory_space<vmem>>, vector<1x16xf32>,
      %get3A_85 = vector.shape_cast %get3A_84 : vector<1x16xf32> to vector<16xf32>
      %broadcast_in_dim3A_86 = vector.shape_cast %select_n3A_10 : vector<16xi32> to vector<16x1xi32>
      %gather3A_87 = vector.shape_cast %broadcast_in_dim3A_86 : vector<16x1xi32> to vector<16xi32>
      %gather3A_88 = tpu.dynamic_gather %get3A_85[%gather3A_87] in [0] : vector<16xf32>, vector<16xi32> -> vector<16xf32>
      %swap3A_89 = arith.index_cast %add3A_81 : i32 to index
      %swap3A_90 = arith.constant 0 : index
      %swap3A_91 = tpu.vector_load %arg4[%swap3A_89, %swap3A_90] {strides = array<i32>} : memref<512x128xf32, #tpu.memory_space<vmem>>, vector<1x16xf32>,
      %swap3A_92 = vector.shape_cast %swap3A_91 : vector<1x16xf32> to vector<16xf32>
      %swap3A_93 = vector.shape_cast %gather3A_88 : vector<16xf32> to vector<1x16xf32>
      tpu.vector_store %arg4[%swap3A_89, %swap3A_90], %swap3A_93 {strides = array<i32>} : memref<512x128xf32, #tpu.memory_space<vmem>>, vector<1x16xf32>,
      %mul3A_94 = arith.constant 8 : i32
      %mul3A_95 = arith.muli %scan3A_16, %mul3A_94 : i32
      %add3A_96 = arith.constant 5 : i32
      %add3A_97 = arith.addi %mul3A_95, %add3A_96 : i32
      %get3A_98 = arith.index_cast %add3A_97 : i32 to index
      %get3A_99 = arith.constant 0 : index
      %get3A_100 = tpu.vector_load %arg4[%get3A_98, %get3A_99] {strides = array<i32>} : memref<512x128xf32, #tpu.memory_space<vmem>>, vector<1x16xf32>,
      %get3A_101 = vector.shape_cast %get3A_100 : vector<1x16xf32> to vector<16xf32>
      %broadcast_in_dim3A_102 = vector.shape_cast %select_n3A_10 : vector<16xi32> to vector<16x1xi32>
      %gather3A_103 = vector.shape_cast %broadcast_in_dim3A_102 : vector<16x1xi32> to vector<16xi32>
      %gather3A_104 = tpu.dynamic_gather %get3A_101[%gather3A_103] in [0] : vector<16xf32>, vector<16xi32> -> vector<16xf32>
      %swap3A_105 = arith.index_cast %add3A_97 : i32 to index
      %swap3A_106 = arith.constant 0 : index
      %swap3A_107 = tpu.vector_load %arg4[%swap3A_105, %swap3A_106] {strides = array<i32>} : memref<512x128xf32, #tpu.memory_space<vmem>>, vector<1x16xf32>,
      %swap3A_108 = vector.shape_cast %swap3A_107 : vector<1x16xf32> to vector<16xf32>
      %swap3A_109 = vector.shape_cast %gather3A_104 : vector<16xf32> to vector<1x16xf32>
      tpu.vector_store %arg4[%swap3A_105, %swap3A_106], %swap3A_109 {strides = array<i32>} : memref<512x128xf32, #tpu.memory_space<vmem>>, vector<1x16xf32>,
      %mul3A_110 = arith.constant 8 : i32
      %mul3A_111 = arith.muli %scan3A_16, %mul3A_110 : i32
      %add3A_112 = arith.constant 6 : i32
      %add3A_113 = arith.addi %mul3A_111, %add3A_112 : i32
      %get3A_114 = arith.index_cast %add3A_113 : i32 to index
      %get3A_115 = arith.constant 0 : index
      %get3A_116 = tpu.vector_load %arg4[%get3A_114, %get3A_115] {strides = array<i32>} : memref<512x128xf32, #tpu.memory_space<vmem>>, vector<1x16xf32>,
      %get3A_117 = vector.shape_cast %get3A_116 : vector<1x16xf32> to vector<16xf32>
      %broadcast_in_dim3A_118 = vector.shape_cast %select_n3A_10 : vector<16xi32> to vector<16x1xi32>
      %gather3A_119 = vector.shape_cast %broadcast_in_dim3A_118 : vector<16x1xi32> to vector<16xi32>
      %gather3A_120 = tpu.dynamic_gather %get3A_117[%gather3A_119] in [0] : vector<16xf32>, vector<16xi32> -> vector<16xf32>
      %swap3A_121 = arith.index_cast %add3A_113 : i32 to index
      %swap3A_122 = arith.constant 0 : index
      %swap3A_123 = tpu.vector_load %arg4[%swap3A_121, %swap3A_122] {strides = array<i32>} : memref<512x128xf32, #tpu.memory_space<vmem>>, vector<1x16xf32>,
      %swap3A_124 = vector.shape_cast %swap3A_123 : vector<1x16xf32> to vector<16xf32>
      %swap3A_125 = vector.shape_cast %gather3A_120 : vector<16xf32> to vector<1x16xf32>
      tpu.vector_store %arg4[%swap3A_121, %swap3A_122], %swap3A_125 {strides = array<i32>} : memref<512x128xf32, #tpu.memory_space<vmem>>, vector<1x16xf32>,
      %mul3A_126 = arith.constant 8 : i32
      %mul3A_127 = arith.muli %scan3A_16, %mul3A_126 : i32
      %add3A_128 = arith.constant 7 : i32
      %add3A_129 = arith.addi %mul3A_127, %add3A_128 : i32
      %get3A_130 = arith.index_cast %add3A_129 : i32 to index
      %get3A_131 = arith.constant 0 : index
      %get3A_132 = tpu.vector_load %arg4[%get3A_130, %get3A_131] {strides = array<i32>} : memref<512x128xf32, #tpu.memory_space<vmem>>, vector<1x16xf32>,
      %get3A_133 = vector.shape_cast %get3A_132 : vector<1x16xf32> to vector<16xf32>
      %broadcast_in_dim3A_134 = vector.shape_cast %select_n3A_10 : vector<16xi32> to vector<16x1xi32>
      %gather3A_135 = vector.shape_cast %broadcast_in_dim3A_134 : vector<16x1xi32> to vector<16xi32>
      %gather3A_136 = tpu.dynamic_gather %get3A_133[%gather3A_135] in [0] : vector<16xf32>, vector<16xi32> -> vector<16xf32>
      %swap3A_137 = arith.index_cast %add3A_129 : i32 to index
      %swap3A_138 = arith.constant 0 : index
      %swap3A_139 = tpu.vector_load %arg4[%swap3A_137, %swap3A_138] {strides = array<i32>} : memref<512x128xf32, #tpu.memory_space<vmem>>, vector<1x16xf32>,
      %swap3A_140 = vector.shape_cast %swap3A_139 : vector<1x16xf32> to vector<16xf32>
      %swap3A_141 = vector.shape_cast %gather3A_136 : vector<16xf32> to vector<1x16xf32>
      tpu.vector_store %arg4[%swap3A_137, %swap3A_138], %swap3A_141 {strides = array<i32>} : memref<512x128xf32, #tpu.memory_space<vmem>>, vector<1x16xf32>,
    }
    %scan3A_15 = arith.constant 64 : i32
    "tpu.region"() ({
      %run_scoped3A = tpu.sem_alloc : memref<!tpu.dma_semaphore, #tpu.memory_space<semaphore_mem>>
      %dma_start3A = arith.constant 0 : i32
      %dma_start3A_16 = tpu.memref_slice %arg2[%mul3A_2, %dma_start3A] : memref<16384x4096xf32, #tpu.memory_space<hbm>> -> memref<512x128xf32, #tpu.memory_space<hbm>>
      %dma_start3A_17 = arith.constant 0 : i32
      %dma_start3A_18 = tpu.memref_slice %arg2[%mul3A_2, %dma_start3A_17] : memref<16384x4096xf32, #tpu.memory_space<hbm>> -> memref<512x128xf32, #tpu.memory_space<hbm>>
      tpu.enqueue_dma source(%arg4 : memref<512x128xf32, #tpu.memory_space<vmem>>) target(%dma_start3A_18 : memref<512x128xf32, #tpu.memory_space<hbm>>) target_semaphore(%run_scoped3A : memref<!tpu.dma_semaphore, #tpu.memory_space<semaphore_mem>>)
      %dma_wait3A = arith.constant 0 : i32
      %dma_wait3A_19 = tpu.memref_slice %arg2[%mul3A_2, %dma_wait3A] : memref<16384x4096xf32, #tpu.memory_space<hbm>> -> memref<512x128xf32, #tpu.memory_space<hbm>>
      %dma_wait3A_20 = arith.constant 0 : i32
      %dma_wait3A_21 = tpu.memref_slice %arg2[%mul3A_2, %dma_wait3A_20] : memref<16384x4096xf32, #tpu.memory_space<hbm>> -> memref<512x128xf32, #tpu.memory_space<hbm>>
      tpu.wait_dma2 semaphore(%run_scoped3A : memref<!tpu.dma_semaphore, #tpu.memory_space<semaphore_mem>>) src(%arg4 : memref<512x128xf32, #tpu.memory_space<vmem>>) dst(%dma_wait3A_21 : memref<512x128xf32, #tpu.memory_space<hbm>>)
      tpu.yield
    }) : () -> ()
    return
  }
}

module attributes {stable_mosaic.version = 14 : i64} {
  func.func @_copy_body(%arg0: i32, %arg1: memref<512x4096xf32, #tpu.memory_space<vmem>>, %arg2: memref<512x4096xf32, #tpu.memory_space<vmem>>) attributes {dimension_semantics = [#tpu.dimension_semantics<arbitrary>], iteration_bounds = array<i64: 32>, scalar_prefetch = 0 : i64, scratch_operands = 0 : i64, tpu.core_type = #tpu.core_type<tc>, window_params = [{transform_indices = @transform_0, window_bounds = array<i64: 512, 4096>}, {transform_indices = @transform_1, window_bounds = array<i64: 512, 4096>}]} {
    %get3A = arith.constant 0 : index
    %get3A_0 = arith.constant 0 : index
    %get3A_1 = vector.load %arg1[%get3A, %get3A_0] : memref<512x4096xf32, #tpu.memory_space<vmem>>, vector<512x4096xf32>
    %swap3A = arith.constant 0 : index
    %swap3A_2 = arith.constant 0 : index
    %swap3A_3 = vector.load %arg2[%swap3A, %swap3A_2] : memref<512x4096xf32, #tpu.memory_space<vmem>>, vector<512x4096xf32>
    tpu.vector_store %arg2[%swap3A, %swap3A_2], %get3A_1 {strides = array<i32>} : memref<512x4096xf32, #tpu.memory_space<vmem>>, vector<512x4096xf32>,
    return
  }
  func.func @transform_0(%arg0: i32) -> (i32, i32) {
    %c0_i32 = arith.constant 0 : i32
    %c0_i32_0 = arith.constant 0 : i32
    return %arg0, %c0_i32 : i32, i32
  }
  func.func @transform_1(%arg0: i32) -> (i32, i32) {
    %c0_i32 = arith.constant 0 : i32
    %c0_i32_0 = arith.constant 0 : i32
    return %arg0, %c0_i32 : i32, i32
  }
}

</mosaic_0001>

<sc_bundles>
// kernel: kernel.4.cloned.1.call-start
scs
__scs_entry_jumppad:
0x0: {  	(pc) =	sbr.rel $0x88, $3  }
0x1: {  	(tag) =	ssettag $0x0;
	lr =	simm.s32 $0x1  }
0x2: {  	[smem:$0x3FA0] =	sst lr;
	_ =	strace $0xD0000000  }
0x3: {  	_ = 	snop  }
0x4: {  	_ = 	snop  }
0x5: {  	_ = 	snop  }
0x6: {  	_ = 	snop  }
0x7: {  	_ = 	snop  }
__scs_overlays_trampoline_lowered:
0x8: {  	[smem:$0x3FAF] =	sst s0  }
0x9: {  	[smem:$0x3FB0] =	sst s1  }
0xa: {  	[smem:$0x3FB1] =	sst s2  }
0xb: {  	[smem:$0x3FB2] =	sst s3  }
0xc: {  	[smem:$0x3FB3] =	sst s4  }
0xd: {  	[smem:$0x3FB4] =	sst s5  }
0xe: {  	[smem:$0x3FB5] =	sst s6  }
0xf: {  	[smem:$0x3FB6] =	sst s7  }
0x10: {  	[smem:$0x3FB7] =	sst s8  }
0x11: {  	[smem:$0x3FB8] =	sst s9;
	s0 =	simm.s32 @!p0 $0x0  }
0x12: {  	s1 =	sld [smem:$0x3F9E];
	s0 =	simm.s32 @p0 $0x1  }
0x13: {  	[smem:$0x3FB9] =	sst s0;
	s0 =	simm.s32 @!p1 $0x0  }
0x14: {  	s2 =	sld [smem:$0x3F9D];
	s0 =	simm.s32 @p1 $0x1  }
0x15: {  	[smem:$0x3FBA] =	sst s0;
	s0 =	simm.s32 @!p2 $0x0  }
0x16: {  	s3 =	sld [smem:$0x3FDB];
	s0 =	simm.s32 @p2 $0x1  }
0x17: {  	s4 =	simm.s32 $0x1BF5;
	[smem:$0x3FBC] =	sst s0  }
0x18: {  	s0 =	sld [smem:$0x3F9F];
	_ =	swait.ge [sflag:s4], $0x0  }
0x19: {  	s7 =	sld [smem:$0x3FA0]  }
0x1a: {  	s8 =	sadd.s32 $0xFFFFE003, lr  }
0x1b: {  	s9 =	sadd.s32 $0xFFFFFEF7, lr;
	s5 =	simm.s32 $0xFFFFFFFF;
	p2 =	slt.u32 s8, $0xFFFFF086  }
0x1c: {  	p1 =	slt.u32 s9, $0xF7A;
	s5 =	simm.s32 @!p2 $0x0  }
0x1d: {  	s5 =	simm.s32 @p1 $0x1;
	p0 =	seq.s32 s7, s2  }
0x1e: {  	s7 =	smul.u32 @!p0 $0xF7A, s2;
	p2 =	seq.s32 @!p0 s5, $0x0  }
0x1f: {  	s9 =	smul.u32 $0xF7A, s1;
	s8 =	simm.s32 @!p0 $0x1BF5;
	p2 =	por !p2, p0  }
0x20: {  	[sflag:s8] =	ssyncset.s32 @!p0 $0xFFFFF086;
	s6 =	sadd.s32 @!p0 s3, s7;
	s7 =	simm.s32 @!p0 $0x108  }
0x21: {  	s3 =	sadd.s32 s3, s9;
	s6 =	sadd.s32 @!p0 $0x88, s6;
	s7 =	simm.s32 @p2 $0x1082  }
0x22: {  	[simem:s7], [sflag:s8] =	dma.local @!p0 [hbm:s6], $0xF7A  }
0x23: {  	s9 =	sor.u32 $0xD0000000, s2;
	s6 =	simm.s32 $0x108;
	_ =	swait.ge @!p0 [sflag:s8], $0x0  }
0x24: {  	s3 =	sadd.s32 $0x88, s3;
	s6 =	simm.s32 @!p1 $0x1082;
	[sflag:s4] =	ssyncset.s32 $0xFFFFF086  }
0x25: {  	[simem:s6], [sflag:s4] =	dma.local [hbm:s3], $0xF7A  }
0x26: {  	[smem:$0x3FA0] =	sst s1;
	(tag) =	ssettag s2;
	_ =	strace s9  }
0x27: {  	s1 =	sld [smem:$0x3FB0]  }
0x28: {  	s2 =	sld [smem:$0x3FB1]  }
0x29: {  	s4 =	sld [smem:$0x3FB3]  }
0x2a: {  	p0 =	seq.s32 s5, $0x0;
	s5 =	sld [smem:$0x3FB4]  }
0x2b: {  	s6 =	sld [smem:$0x3FB5]  }
0x2c: {  	s7 =	sld [smem:$0x3FB6]  }
0x2d: {  	s3 =	simm.s32 $0x108;
	s8 =	sld [smem:$0x3FB7]  }
0x2e: {  	s3 =	simm.s32 @!p0 $0x1082;
	s9 =	sld [smem:$0x3FB8]  }
0x2f: {  	lr =	sadd.s32 s0, s3;
	s0 =	sld [smem:$0x3FAF]  }
0x30: {  	s3 =	sld [smem:$0x3FB2]  }
0x31: {  	[smem:$0x3FBB] =	sst s10  }
0x32: {  	s10 =	sld [smem:$0x3FB9];
	_ =	sdelay $0x3  }
0x33: {  	p0 =	seq.s32 s10, $0x1;
	s10 =	sld [smem:$0x3FBB];
	_ =	sdelay $0x3  }
0x34: {  	[smem:$0x3FBB] =	sst s10  }
0x35: {  	s10 =	sld [smem:$0x3FBA];
	_ =	sdelay $0x3  }
0x36: {  	p1 =	seq.s32 s10, $0x1;
	s10 =	sld [smem:$0x3FBB];
	_ =	sdelay $0x3  }
0x37: {  	[smem:$0x3FBB] =	sst s10  }
0x38: {  	s10 =	sld [smem:$0x3FBC]  }
0x39: {  	_ = 	snop;
	(pc) =	sbr.ind lr, $3  }
0x3a: {  	_ = 	snop  }
0x3b: {  	_ = 	snop  }
0x3c: {  	p2 =	seq.s32 s10, $0x1;
	s10 =	sld [smem:$0x3FBB]  }
0x3d: {  	_ =	shalt  }
0x3e: {  	_ =	shalt  }
0x3f: {  	_ =	shalt  }
0x40: {  	_ =	shalt  }
0x41: {  	_ =	shalt  }
0x42: {  	_ =	shalt  }
0x43: {  	_ =	shalt  }
0x44: {  	_ =	shalt  }
0x45: {  	_ =	shalt  }
0x46: {  	_ =	shalt  }
0x47: {  	_ =	shalt  }
0x48: {  	_ =	shalt  }
0x49: {  	_ =	shalt  }
0x4a: {  	_ =	shalt  }
0x4b: {  	_ =	shalt  }
0x4c: {  	_ =	shalt  }
0x4d: {  	_ =	shalt  }
0x4e: {  	_ =	shalt  }
0x4f: {  	_ =	shalt  }
0x50: {  	_ =	shalt  }
0x51: {  	_ =	shalt  }
0x52: {  	_ =	shalt  }
0x53: {  	_ =	shalt  }
0x54: {  	_ =	shalt  }
0x55: {  	_ =	shalt  }
0x56: {  	_ =	shalt  }
0x57: {  	_ =	shalt  }
0x58: {  	_ =	shalt  }
0x59: {  	_ =	shalt  }
0x5a: {  	_ =	shalt  }
0x5b: {  	_ =	shalt  }
0x5c: {  	_ =	shalt  }
0x5d: {  	_ =	shalt  }
0x5e: {  	_ =	shalt  }
0x5f: {  	_ =	shalt  }
0x60: {  	_ =	shalt  }
0x61: {  	_ =	shalt  }
0x62: {  	_ =	shalt  }
0x63: {  	_ =	shalt  }
0x64: {  	_ =	shalt  }
0x65: {  	_ =	shalt  }
0x66: {  	_ =	shalt  }
0x67: {  	_ =	shalt  }
0x68: {  	_ =	shalt  }
0x69: {  	_ =	shalt  }
0x6a: {  	_ =	shalt  }
0x6b: {  	_ =	shalt  }
0x6c: {  	_ =	shalt  }
0x6d: {  	_ =	shalt  }
0x6e: {  	_ =	shalt  }
0x6f: {  	_ =	shalt  }
0x70: {  	_ =	shalt  }
0x71: {  	_ =	shalt  }
0x72: {  	_ =	shalt  }
0x73: {  	_ =	shalt  }
0x74: {  	_ =	shalt  }
0x75: {  	_ =	shalt  }
0x76: {  	_ =	shalt  }
0x77: {  	_ =	shalt  }
0x78: {  	_ =	shalt  }
0x79: {  	_ =	shalt  }
0x7a: {  	_ =	shalt  }
0x7b: {  	_ =	shalt  }
0x7c: {  	_ =	shalt  }
0x7d: {  	_ =	shalt  }
0x7e: {  	_ =	shalt  }
0x7f: {  	_ =	shalt  }
0x80: {  	_ =	shalt  }
0x81: {  	_ =	shalt  }
0x82: {  	_ =	shalt  }
0x83: {  	_ =	shalt  }
0x84: {  	_ =	shalt  }
0x85: {  	_ =	shalt  }
0x86: {  	_ =	shalt  }
0x87: {  	_ =	shalt  }
.Lfunc_end0:
.L_simem_size_0:
called_computation_lowered:
.L_overlay_start_0:
0x88: {  	s2 =	sld [smem:$0x3FD9]  }
0x89: {  	s3 =	sld [smem:$0x3FFE];
	_ =	sdelay $0x1  }
0x8a: {  	s1 =	srdreg.scid  }
0x8b: {  	s0 =	sand.u32 $0x1, s1  }
0x8c: {  	s18 =	sshll.u32 s0, $0xA;
	s2 =	sadd.s32 s3, s2  }
0x8d: {  	s2 =	sadd.s32 s2, s18  }
0x8e: {  	[smem:$0x3FC7] =	sst s2  }
0x8f: {  	_ = 	snop  }
0x90: {  	s2 =	sld [smem:$0x3FD0];
	(tm) =	ssettm $0x1  }
0x91: {  	s19 =	sld [smem:$0x3FFB];
	_ =	sdelay $0x3  }
0x92: {  	_ =	strace s19  }
0x93: {  	s3 =	sld [smem:$0x3FFC];
	_ =	sdelay $0x3  }
0x94: {  	_ =	strace s3  }
0x95: {  	s3 =	sld [smem:$0x3FFD];
	_ =	sdelay $0x3  }
0x96: {  	_ =	strace s3  }
0x97: {  	_ =	strace $0x8FFFFFFF  }
0x98: {  	s20 =	sld [smem:$0x3FDB];
	_ =	sdelay $0x1  }
0x99: {  	s4 =	simm.s32 $_scs_section_size  }
0x9a: {  	s5 =	simm.s32 $_size__tile_overlayer_lowered;
	s6 =	simm.s32 $_tile_overlayer_lowered  }
0x9b: {  	s23 =	simm.s32 $0x1BFF;
	s22 =	sshll.u32 s6, $0x1;
	s3 =	sadd.s32 s4, s20  }
0x9c: {  	s7 =	simm.s32 $0x0;
	s21 =	sshll.u32 s5, $0x1;
	s5 =	sadd.s32 s22, s3  }
0x9d: {  	[timem:s7], [sflag:s23] =	dma.local [hbm:s5], s21  }
0x9e: {  	_ =	swait.ge [sflag:s23], s21  }
0x9f: {  	s4 =	ssub.s32 $0x0, s21;
	[sflag:s23] =	ssyncset.done $0x0  }
0xa0: {  	[sflag:s23] =	ssyncadd.s32 s4;
	_ =	sdelay $0x1  }
0xa1: {  	s24 =	simm.s32 $0x1B8B  }
0xa2: {  	_ =	swait.ge [sflag:s24], $0x1  }
0xa3: {  	[sflag:s24] =	ssyncset.done $0x0  }
0xa4: {  	s25 =	simm.s32 $0x1B8E;
	[sflag:s24] =	ssyncadd.s32 $0xFFFFFFFF  }
0xa5: {  	s26 =	simm.s32 $execute0_lowered;
	[smem:$0x3FD2] =	sst s25  }
0xa6: {  	s4 =	sshll.u32 s26, $0x1;
	_ =	strace $0x80000046;
	[dreg:$0x1] =	wrdreg $0xFFFFFFFF  }
0xa7: {  	s28 =	simm.s32 $_size_execute0_lowered;
	s3 =	sadd.s32 s3, s4;
	[dreg:$0x0] =	wrdreg $0x0  }
0xa8: {  	s4 =	sshll.u32 s28, $0x1;
	[dreg:$0x2] =	wrdreg s3  }
0xa9: {  	[dreg:$0x3] =	wrdreg s4  }
0xaa: {  	[dreg:$0x4] =	wrdreg $0xC0  }
0xab: {  	_ =	task [dreg:s7], $0x5FFFF  }
0xac: {  	[dreg:$0x1] =	wrdreg $0xFFFFFFFF  }
0xad: {  	[dreg:$0x0] =	wrdreg $0x60  }
0xae: {  	[dreg:$0x2] =	wrdreg s2  }
0xaf: {  	[dreg:$0x3] =	wrdreg $0x9  }
0xb0: {  	_ =	task.clear_ibuf [dreg:s7], $0x4FFFF;
	_ =	strace $0x90000046  }
0xb1: {  	s29 =	simm.s32 $0x9;
	_ =	strace $0x80000048  }
0xb2: {  	_ =	swait.ge [sflag:s29], $0x1  }
0xb3: {  	[sflag:s29] =	ssyncadd.s32 $0xFFFFFFFF  }
0xb4: {  	_ =	strace $0x90000048  }
0xb5: {  	_ =	sfence  }
0xb6: {  	s30 =	sld [smem:$0x0];
	_ =	sdelay $0x2  }
0xb7: {  	s31 =	sshll.u32 s1, $0xD;
	s1 =	sshrl.u32 s1, $0x2  }
0xb8: {  	s3 =	sand.u32 $0x4000, s31;
	s1 =	sadd.s32 s1, s30  }
0xb9: {  	s0 =	sor.u32 s3, s0;
	s1 =	sshll.u32 s1, $0x11  }
0xba: {  	s0 =	sor.u32 s1, s0  }
0xbb: {  	s0 =	sadd.s32 $0x8F2B, s0  }
0xbc: {  	[sflag:s0] =	ssyncadd.remote.s32 $0x1  }
0xbd: {  	_ =	sfence.sel $0xFFFF  }
0xbe: {  	[dreg:$0x0] =	wrdreg $0xFFFFFFFF;
	(pc) =	sbr.abs _section_cstart, $3  }
0xbf: {  	[dreg:$0x1] =	wrdreg $0xFFFFFFFF  }
0xc0: {  	_ =	task.clear_ibuf [dreg:s7], $0x2FFFF;
	_ =	strace $0x9FFFFFFF  }
0xc1: {  	(tm) =	ssettm $0x7FFFFFFF  }
tec
execute0_lowered:
.L_overlay_start_1:
0x0: {  	(tag) =	ssettag $0x1  }
0x1: {  	s3 =	rddreg [dreg:$0x0];
	v0 =	vimm.s32 $0xFEDCBA98;
	v1 =	vimm.s32 $0x76543201  }
0x2: {  	s0 =	rddreg [dreg:$0x1];
	v0 =	vunpack.c.l.s4.s8 v0;
	v1 =	vunpack.c.l.s4.s8 v1  }
0x3: {  	s1 =	simm.s32 $0x0;
	s2 =	srdreg.scid;
	s7 =	simm.s32 $0x1  }
0x4: {  	s8 =	simm.s32 $0x0;
	[smem:$0x7FF] =	sst s1;
	s4 =	sand.u32 $0x1, s2;
	v0 =	vunpack.c.0.s8.s32 v0;
	v1 =	vunpack.c.0.s8.s32 v1  }
0x5: {  	s2 =	stileid.u32;
	s5 =	ssub.s32 $0x2, s4;
	s4 =	sshll.u32 s4, $0x12  }
0x6: {  	s31 =	sshll.u32 s2, $0x13;
	s6 =	sshrl.u32 s5, $0x1;
	s3 =	sadd.s32 s3, s4;
	v0 =	vcombine.low v1, v0  }
0x7: {  	_ =	strace $0x80000047;
	s5 =	ssub.s32 s5, s6;
	s3 =	sadd.s32 s31, s3  }
0x8: {  	s6 =	simm.s32 $0x8000;
	s4 =	smax.u32 s5, $0x1;
	s5 =	simm.s32 $0x400;
	v0 =	vand.u32 $0xF, v0  }
.LBB2_1:
0x9: {  	[tilespmem:s1], [sflag:$0x1] =	stream.strided.gather [hbm4b:s3+s5], $0x10000, s6, s5, $0x38;
	[tilespmem:$0x10000] =	vst v63  }
0xa: {  	_ =	swait.ge [sflag:s7], $0x10000  }
0xb: {  	[sflag:s7] =	ssyncset.done $0x0  }
0xc: {  	s9 =	simm.s32 $0x0;
	[sflag:s7] =	ssyncadd.s32 $0xFFFF0000  }
0xd: {  	v4 =	vld [tilespmem:s9+$0x0]  }
0xe: {  	v6 =	vld [tilespmem:s9+$0x80]  }
0xf: {  	v5 =	vld [tilespmem:s9+$0x100]  }
0x10: {  	v3 =	vld [tilespmem:s9+$0x180]  }
0x11: {  	v1 =	vld [tilespmem:s9+$0x200]  }
0x12: {  	v2 =	vld [tilespmem:s9+$0x280];
	v7 =	vperm.xlane v4, v0  }
0x13: {  	s10 =	simm.s32 $0x1000;
	v6 =	vperm.xlane v6, v0;
	v4 =	vld [tilespmem:s9+$0x300]  }
.LBB2_2:
0x14: {  	s11 =	sshra.s32 s10, $0x2;
	p0 =	sne.s32 s10, $0x3F000;
	[tilespmem:s9+$0x0] =	vst v7;
	v5 =	vperm.xlane v5, v0;
	v7 =	vld [tilespmem:s9+$0x380]  }
0x15: {  	v8 =	vld [tilespmem:s11+$0x0];
	[tilespmem:s9+$0x80] =	vst v6;
	v3 =	vperm.xlane v3, v0  }
0x16: {  	v6 =	vld [tilespmem:s11+$0x80];
	[tilespmem:s9+$0x100] =	vst v5;
	v1 =	vperm.xlane v1, v0  }
.Ltmp0:
0x17: {  	v5 =	vld [tilespmem:s11+$0x100];
	[tilespmem:s9+$0x180] =	vst v3;
	v2 =	vperm.xlane v2, v0;
	(pc) =	sbr.rel @p0 .LBB2_2-.Ltmp0, $4  }
0x18: {  	v3 =	vld [tilespmem:s11+$0x180];
	[tilespmem:s9+$0x200] =	vst v1;
	v4 =	vperm.xlane v4, v0  }
0x19: {  	v1 =	vld [tilespmem:s11+$0x200];
	[tilespmem:s9+$0x280] =	vst v2;
	v9 =	vperm.xlane v7, v0  }
0x1a: {  	v7 =	vperm.xlane v8, v0;
	v2 =	vld [tilespmem:s11+$0x280];
	[tilespmem:s9+$0x300] =	vst v4  }
0x1b: {  	s10 =	sadd.s32 $0x1000, s10;
	v6 =	vperm.xlane v6, v0;
	v4 =	vld [tilespmem:s11+$0x300];
	[tilespmem:s9+$0x380] =	vst v9;
	s9 =	smov.u32 s11  }
0x1c: {  	[tilespmem:s9+$0x0] =	vst v7;
	v5 =	vperm.xlane v5, v0;
	v63 =	vld [tilespmem:s9+$0x380]  }
0x1d: {  	[tilespmem:s9+$0x80] =	vst v6;
	v3 =	vperm.xlane v3, v0  }
0x1e: {  	[tilespmem:s9+$0x100] =	vst v5;
	v1 =	vperm.xlane v1, v0  }
0x1f: {  	[tilespmem:s9+$0x180] =	vst v3;
	v2 =	vperm.xlane v2, v0  }
0x20: {  	[tilespmem:s9+$0x200] =	vst v1;
	v1 =	vperm.xlane v4, v0  }
0x21: {  	s8 =	sadd.s32 $0x1, s8;
	[tilespmem:s9+$0x280] =	vst v2;
	v2 =	vperm.xlane v63, v0  }
0x22: {  	p0 =	sne.s32 s8, s4;
	[tilespmem:s9+$0x300] =	vst v1  }
.Ltmp1:
0x23: {  	[tilespmem:s9+$0x380] =	vst v2;
	(pc) =	sbr.rel @p0 .LBB2_1-.Ltmp1, $4  }
0x24: {  	[hbm4b:s3+s5] =	stream.strided.scatter [tilespmem:s1], [sflag:$0x1], $0x10000, s6, s5, $0x38;
	[tilespmem:$0x10000] =	vst v63  }
0x25: {  	_ =	swait.ge [sflag:s7], $0x10000  }
0x26: {  	[sflag:s7] =	ssyncset.done $0x0  }
0x27: {  	[sflag:s7] =	ssyncadd.s32 $0xFFFF0000  }
0x28: {  	_ =	sfence.sel $0x180000  }
0x29: {  	[bflag:$0x0] =	sbarrier.arrive $0xFFFF  }
0x2a: {  	p0 =	sne.s32 s2, $0x0;
	_ =	strace $0x90000047  }
0x2b: {  	s0 =	sadd.s32 @!p0 $0x100000, s0;
	[bflag:$0x2] =	sbarrier.arrive $0xFFFF  }
0x2c: {  	[sflag:s0] =	ssyncadd.tile.s32 @!p0 $0x1;
	_ =	shalt  }
.Lfunc_end2:
_tile_overlayer_lowered:
.L_overlay_start_2:
0x2d: {  	(tag) =	ssettag $0x2  }
0x2e: {  	s0 =	rddreg [dreg:$0x0];
	s2 =	stileid.u32  }
0x2f: {  	s1 =	rddreg [dreg:$0x1];
	p0 =	sne.s32 s2, $0x0  }
0x30: {  	s3 =	rddreg [dreg:$0x2];
	[bflag:$0x3] =	sbarrier.arrive $0xFFFF;
	s2 =	simm.s32 @!p0 $0x1C01  }
0x31: {  	[timem:s3], [sflag:s2] =	dma.local @!p0 [hbm:s0], s1  }
0x32: {  	s0 =	simm.s32 @!p0 $0x1  }
0x33: {  	_ =	swait.ge @!p0 [sflag:s0], s1  }
0x34: {  	s1 =	ssub.s32 @!p0 $0x0, s1;
	[sflag:s0] =	ssyncset.done @!p0 $0x0  }
0x35: {  	[sflag:s0] =	ssyncadd.s32 @!p0 s1  }
0x36: {  	[bflag:$0x3] =	sbarrier.arrive $0xFFFF  }
0x37: {  	_ =	shalt  }

</sc_bundles>
